<compile_context>
chip_gen: v7x
topology: tpu7x:2x2x1
jax: 0.10.2.dev20260603
libtpu: 0.0.44.dev20260713+nightly
codegen_flags: <defaults>
</compile_context>

<pallas_src>
import functools

import jax
import jax.numpy as jnp
from jax import lax
from jax.experimental import pallas as pl
from jax.experimental.pallas import tpu as pltpu
from jax.experimental.pallas import tpu_sc as plsc

_Z_DIM = 32
_K = 8192
_N = 8192
_BETA = 0.25

_TN = 512
_GRID = _N // _TN
_HK = _K // 2

_NC = 2
_NS = 16
_NW = _NC * _NS
_BPW = _N // _NW
_IDX_CH = 128
_IDX_ROWS = _N // _IDX_CH


def _dist_argmin_body(z_ref, ebf_ref, csz_ref, cse_ref,
                      idx2d_ref, idxcol_ref, loss_ref):
    i = pl.program_id(0)
    z = z_ref[...]
    csz = csz_ref[0][...].reshape(_TN, 1)

    def chunk(c0):
        eb = ebf_ref[c0:c0 + _HK, :]
        mm2 = lax.dot_general(z, eb, (((1,), (1,)), ((), ())),
                              preferred_element_type=jnp.float32)
        d = (csz + cse_ref[:, c0:c0 + _HK]) + mm2
        minv = jnp.min(d, axis=1)
        iota = lax.broadcasted_iota(jnp.int32, (_TN, _HK), 1)
        idx = jnp.min(jnp.where(d == minv[:, None], iota, _HK), axis=1)
        return minv, idx + c0

    minv_a, idx_a = chunk(0)
    minv_b, idx_b = chunk(_HK)
    min_a_bf = minv_a.astype(jnp.bfloat16).astype(jnp.float32)
    take_b = minv_b < min_a_bf
    idx = jnp.where(take_b, idx_b, idx_a)
    minv = jnp.where(take_b, minv_b, minv_a)
    idx2d_ref[...] = idx.reshape(1, _TN // _IDX_CH, _IDX_CH)
    idxcol_ref[...] = idx.reshape(_TN, 1)
    part = jnp.sum(minv)
    prev = jnp.where(i == 0, jnp.float32(0.0), loss_ref[0, 0])
    acc = prev + part
    scale = jnp.float32((1.0 + _BETA) / (_N * _Z_DIM))
    loss_ref[0, 0] = jnp.where(i == _GRID - 1, acc * scale, acc)


def _dist_argmin(z, ebf, csz, cse):
    return pl.pallas_call(
        _dist_argmin_body,
        grid=(_GRID,),
        in_specs=[
            pl.BlockSpec((_TN, _Z_DIM), lambda i: (i, 0)),
            pl.BlockSpec((_K, _Z_DIM), lambda i: (0, 0)),
            pl.BlockSpec((1, 1, _TN), lambda i: (i, 0, 0)),
            pl.BlockSpec((1, _K), lambda i: (0, 0)),
        ],
        out_specs=[
            pl.BlockSpec((1, _TN // _IDX_CH, _IDX_CH), lambda i: (i, 0, 0)),
            pl.BlockSpec((_TN, 1), lambda i: (i, 0)),
            pl.BlockSpec((1, 1), lambda i: (0, 0),
                         memory_space=pltpu.SMEM),
        ],
        out_shape=[
            jax.ShapeDtypeStruct((_GRID, _TN // _IDX_CH, _IDX_CH), jnp.int32),
            jax.ShapeDtypeStruct((_N, 1), jnp.int32),
            jax.ShapeDtypeStruct((1, 1), jnp.float32),
        ],
    )(z, ebf, csz, cse)


@functools.lru_cache(maxsize=1)
def _make_sc_gather():
    mesh = plsc.VectorSubcoreMesh(core_axis_name="c", subcore_axis_name="s")

    @functools.partial(
        pl.kernel,
        mesh=mesh,
        out_type=jax.ShapeDtypeStruct((_N, _Z_DIM), jnp.float32),
        scratch_types=[
            pltpu.VMEM((_BPW // _IDX_CH, _IDX_CH), jnp.int32),
            pltpu.VMEM((_BPW, _Z_DIM), jnp.float32),
            pltpu.VMEM((_BPW, _Z_DIM), jnp.float32),
            pltpu.SemaphoreType.DMA,
        ],
        compiler_params=pltpu.CompilerParams(use_tc_tiling_on_sc=False),
    )
    def _sc_gather(table_hbm, idx_hbm, z_hbm, out_hbm, idx_v, rows_v, z_v, sem):
        wid = lax.axis_index("s") * _NC + lax.axis_index("c")
        nrow = _BPW // _IDX_CH
        pltpu.sync_copy(idx_hbm.at[pl.ds(wid * nrow, nrow)], idx_v)
        pltpu.sync_copy(z_hbm.at[pl.ds(wid * _BPW, _BPW)], z_v)
        for j in range(nrow):
            pltpu.async_copy(
                table_hbm.at[idx_v.at[j]],
                rows_v.at[pl.ds(j * _IDX_CH, _IDX_CH)],
                sem,
            ).wait()

        def body(r, _):
            for h in range(0, _Z_DIM, 16):
                q = rows_v[r, pl.ds(h, 16)]
                zz = z_v[r, pl.ds(h, 16)]
                rows_v[r, pl.ds(h, 16)] = zz + (q - zz)
            return 0

        lax.fori_loop(0, _BPW, body, 0)
        pltpu.sync_copy(rows_v, out_hbm.at[pl.ds(wid * _BPW, _BPW)])

    return _sc_gather


def kernel(z, embedding_weight):
    z_flat = z
    csz = jnp.sum(z_flat ** 2, axis=1, keepdims=True)
    cse = jnp.sum(embedding_weight ** 2, axis=1)
    ebf = embedding_weight.astype(jnp.bfloat16) * jnp.bfloat16(-2.0)
    idx2d, idxcol, loss_blk = _dist_argmin(
        z_flat, ebf,
        csz.reshape(_GRID, 1, _TN), cse.reshape(1, _K))
    z_q_st = _make_sc_gather()(embedding_weight,
                               idx2d.reshape(_IDX_ROWS, _IDX_CH), z_flat)
    embedding_loss = loss_blk.reshape(())
    return z_q_st, idxcol, embedding_loss

# --- scband reference (transcript-rebuilt; emitter-appended) ---
"""Pipeline reference for scband-vector-quantizer-326417514848 (READ-ONLY COPY).

The authoritative reference and input builder live on the scoring server;
editing this copy changes nothing except your own understanding.
"""

import jax, jax.numpy as jnp
import numpy as np

Z_DIM = 32
NUM_EMBEDDINGS = 8192
BETA = 0.25
N_TOKENS = 8192


def setup_inputs(seed: int = 0) -> dict:
    key = jax.random.key(seed)
    k1, k2 = jax.random.split(key)
    z = jax.random.normal(k1, (N_TOKENS, Z_DIM), dtype=jnp.float32)
    # nn.Embedding weight initialized uniform(-1/K, 1/K)
    embedding_weight = jax.random.uniform(
        k2, (NUM_EMBEDDINGS, Z_DIM), dtype=jnp.float32,
        minval=-1.0 / NUM_EMBEDDINGS, maxval=1.0 / NUM_EMBEDDINGS)
    return {"z": z, "embedding_weight": embedding_weight}


def reference(z, embedding_weight):
    # torch.squeeze(z, dim=1) is a no-op for z of shape [N, z_dim]
    z_flat = z
    # pairwise squared distances: ||z||^2 + ||e||^2 - 2 z e^T
    d = (jnp.sum(z_flat ** 2, axis=1, keepdims=True)
         + jnp.sum(embedding_weight ** 2, axis=1)
         - 2.0 * jnp.matmul(z_flat, embedding_weight.T))
    min_encoding_indices = jnp.argmin(d, axis=1)[:, None]
    # one-hot encodings via scatter-overwrite, then matmul (faithful to torch code)
    n = min_encoding_indices.shape[0]
    min_encodings = jnp.zeros((n, NUM_EMBEDDINGS), dtype=jnp.float32)
    min_encodings = min_encodings.at[jnp.arange(n), min_encoding_indices[:, 0]].set(1.0)
    z_q = jnp.matmul(min_encodings, embedding_weight).reshape(z_flat.shape)
    embedding_loss = (jnp.mean((jax.lax.stop_gradient(z_q) - z_flat) ** 2)
                      + BETA * jnp.mean((z_q - jax.lax.stop_gradient(z_flat)) ** 2))
    # straight-through estimator
    z_q_st = z_flat + jax.lax.stop_gradient(z_q - z_flat)
    z_q_st = z_q_st.reshape(z.shape)
    return z_q_st, min_encoding_indices, embedding_loss

if __name__ == "__main__":
    import jax
    _d = setup_inputs()
    print(jax.jit(kernel)(*tuple(_d.values())))

</pallas_src>

<mosaic_0001>
#map = affine_map<(d0, d1) -> (0, 0)>
module attributes {stable_mosaic.version = 14 : i64} {
  func.func @_sc_gather(%arg0: i32, %arg1: i32, %arg2: memref<8192x32xf32, #tpu.memory_space<hbm>>, %arg3: memref<64x128xi32, #tpu.memory_space<hbm>>, %arg4: memref<8192x32xf32, #tpu.memory_space<hbm>>, %arg5: memref<8192x32xf32, #tpu.memory_space<hbm>>, %arg6: memref<2x128xi32, #tpu.memory_space<vmem>>, %arg7: memref<256x32xf32, #tpu.memory_space<vmem>>, %arg8: memref<256x32xf32, #tpu.memory_space<vmem>>, %arg9: memref<!tpu.dma_semaphore, #tpu.memory_space<semaphore_mem>>) attributes {dimension_semantics = [#tpu.dimension_semantics<core_parallel>, #tpu.dimension_semantics<subcore_parallel>], iteration_bounds = array<i64: 2, 16>, scalar_prefetch = 0 : i64, scratch_operands = 4 : i64, tpu.core_type = #tpu.core_type<sc_vector_subcore>, window_params = [{transform_indices = #map}, {transform_indices = #map}, {transform_indices = #map}, {transform_indices = #map}]} {
    %mul3A = arith.constant 2 : i32
    %mul3A_0 = arith.muli %arg1, %mul3A : i32
    %add3A = arith.addi %mul3A_0, %arg0 : i32
    %mul3A_1 = arith.constant 2 : i32
    %mul3A_2 = arith.muli %add3A, %mul3A_1 : i32
    "tpu.region"() ({
      %run_scoped3A = tpu.sem_alloc : memref<!tpu.dma_semaphore, #tpu.memory_space<semaphore_mem>>
      %dma_start3A_51 = arith.constant 0 : i32
      %dma_start3A_52 = tpu.memref_slice %arg3[%mul3A_2, %dma_start3A_51] : memref<64x128xi32, #tpu.memory_space<hbm>> -> memref<2x128xi32, #tpu.memory_space<hbm>>
      %dma_start3A_53 = arith.constant 0 : i32
      %dma_start3A_54 = tpu.memref_slice %arg3[%mul3A_2, %dma_start3A_53] : memref<64x128xi32, #tpu.memory_space<hbm>> -> memref<2x128xi32, #tpu.memory_space<hbm>>
      tpu.enqueue_dma source(%dma_start3A_54 : memref<2x128xi32, #tpu.memory_space<hbm>>) target(%arg6 : memref<2x128xi32, #tpu.memory_space<vmem>>) target_semaphore(%run_scoped3A : memref<!tpu.dma_semaphore, #tpu.memory_space<semaphore_mem>>)
      %dma_wait3A_55 = arith.constant 0 : i32
      %dma_wait3A_56 = tpu.memref_slice %arg3[%mul3A_2, %dma_wait3A_55] : memref<64x128xi32, #tpu.memory_space<hbm>> -> memref<2x128xi32, #tpu.memory_space<hbm>>
      %dma_wait3A_57 = arith.constant 0 : i32
      %dma_wait3A_58 = tpu.memref_slice %arg3[%mul3A_2, %dma_wait3A_57] : memref<64x128xi32, #tpu.memory_space<hbm>> -> memref<2x128xi32, #tpu.memory_space<hbm>>
      tpu.wait_dma2 semaphore(%run_scoped3A : memref<!tpu.dma_semaphore, #tpu.memory_space<semaphore_mem>>) src(%dma_wait3A_58 : memref<2x128xi32, #tpu.memory_space<hbm>>) dst(%arg6 : memref<2x128xi32, #tpu.memory_space<vmem>>)
      tpu.yield
    }) : () -> ()
    %mul3A_3 = arith.constant 256 : i32
    %mul3A_4 = arith.muli %add3A, %mul3A_3 : i32
    "tpu.region"() ({
      %run_scoped3A = tpu.sem_alloc : memref<!tpu.dma_semaphore, #tpu.memory_space<semaphore_mem>>
      %dma_start3A_51 = arith.constant 0 : i32
      %dma_start3A_52 = tpu.memref_slice %arg4[%mul3A_4, %dma_start3A_51] : memref<8192x32xf32, #tpu.memory_space<hbm>> -> memref<256x32xf32, #tpu.memory_space<hbm>>
      %dma_start3A_53 = arith.constant 0 : i32
      %dma_start3A_54 = tpu.memref_slice %arg4[%mul3A_4, %dma_start3A_53] : memref<8192x32xf32, #tpu.memory_space<hbm>> -> memref<256x32xf32, #tpu.memory_space<hbm>>
      tpu.enqueue_dma source(%dma_start3A_54 : memref<256x32xf32, #tpu.memory_space<hbm>>) target(%arg8 : memref<256x32xf32, #tpu.memory_space<vmem>>) target_semaphore(%run_scoped3A : memref<!tpu.dma_semaphore, #tpu.memory_space<semaphore_mem>>)
      %dma_wait3A_55 = arith.constant 0 : i32
      %dma_wait3A_56 = tpu.memref_slice %arg4[%mul3A_4, %dma_wait3A_55] : memref<8192x32xf32, #tpu.memory_space<hbm>> -> memref<256x32xf32, #tpu.memory_space<hbm>>
      %dma_wait3A_57 = arith.constant 0 : i32
      %dma_wait3A_58 = tpu.memref_slice %arg4[%mul3A_4, %dma_wait3A_57] : memref<8192x32xf32, #tpu.memory_space<hbm>> -> memref<256x32xf32, #tpu.memory_space<hbm>>
      tpu.wait_dma2 semaphore(%run_scoped3A : memref<!tpu.dma_semaphore, #tpu.memory_space<semaphore_mem>>) src(%dma_wait3A_58 : memref<256x32xf32, #tpu.memory_space<hbm>>) dst(%arg8 : memref<256x32xf32, #tpu.memory_space<vmem>>)
      tpu.yield
    }) : () -> ()
    %dma_start3A = arith.constant 0 : i32
    %dma_start3A_5 = arith.constant 0 : i32
    %dma_start3A_6 = arith.constant 0 : i32
    %dma_start3A_7 = tpu.memref_slice %arg7[%dma_start3A_5, %dma_start3A_6] : memref<256x32xf32, #tpu.memory_space<vmem>> -> memref<128x32xf32, #tpu.memory_space<vmem>>
    %dma_start3A_8 = arith.constant 0 : i32
    %dma_start3A_9 = tpu.memref_slice %arg6[%dma_start3A, %dma_start3A_8] : memref<2x128xi32, #tpu.memory_space<vmem>> -> memref<1x128xi32, #tpu.memory_space<vmem>>
    %dma_start3A_10 = tpu.memref_squeeze %dma_start3A_9 : memref<1x128xi32, #tpu.memory_space<vmem>> -> memref<128xi32, #tpu.memory_space<vmem>>
    %dma_start3A_11 = arith.constant 0 : i32
    %dma_start3A_12 = arith.constant 0 : i32
    %dma_start3A_13 = tpu.memref_slice %arg2[%dma_start3A_11, %dma_start3A_12] : memref<8192x32xf32, #tpu.memory_space<hbm>> -> memref<8192x32xf32, #tpu.memory_space<hbm>>
    tpu.enqueue_indirect_dma source(%dma_start3A_13 : memref<8192x32xf32, #tpu.memory_space<hbm>>) target(%dma_start3A_7 : memref<128x32xf32, #tpu.memory_space<vmem>>) offsets(%dma_start3A_10 : memref<128xi32, #tpu.memory_space<vmem>>) semaphore(%arg9 : memref<!tpu.dma_semaphore, #tpu.memory_space<semaphore_mem>>)
    %dma_wait3A = arith.constant 0 : i32
    %dma_wait3A_14 = arith.constant 0 : i32
    %dma_wait3A_15 = arith.constant 0 : i32
    %dma_wait3A_16 = tpu.memref_slice %arg7[%dma_wait3A_14, %dma_wait3A_15] : memref<256x32xf32, #tpu.memory_space<vmem>> -> memref<128x32xf32, #tpu.memory_space<vmem>>
    %dma_wait3A_17 = arith.constant 0 : i32
    %dma_wait3A_18 = tpu.memref_slice %arg6[%dma_wait3A, %dma_wait3A_17] : memref<2x128xi32, #tpu.memory_space<vmem>> -> memref<1x128xi32, #tpu.memory_space<vmem>>
    %dma_wait3A_19 = tpu.memref_squeeze %dma_wait3A_18 : memref<1x128xi32, #tpu.memory_space<vmem>> -> memref<128xi32, #tpu.memory_space<vmem>>
    %dma_wait3A_20 = arith.constant 0 : i32
    %dma_wait3A_21 = arith.constant 0 : i32
    %dma_wait3A_22 = tpu.memref_slice %arg2[%dma_wait3A_20, %dma_wait3A_21] : memref<8192x32xf32, #tpu.memory_space<hbm>> -> memref<8192x32xf32, #tpu.memory_space<hbm>>
    tpu.wait_indirect_dma semaphore(%arg9 : memref<!tpu.dma_semaphore, #tpu.memory_space<semaphore_mem>>) src(%dma_wait3A_22 : memref<8192x32xf32, #tpu.memory_space<hbm>>) dst(%dma_wait3A_16 : memref<128x32xf32, #tpu.memory_space<vmem>>)
    %dma_start3A_23 = arith.constant 1 : i32
    %dma_start3A_24 = arith.constant 128 : i32
    %dma_start3A_25 = arith.constant 0 : i32
    %dma_start3A_26 = tpu.memref_slice %arg7[%dma_start3A_24, %dma_start3A_25] : memref<256x32xf32, #tpu.memory_space<vmem>> -> memref<128x32xf32, #tpu.memory_space<vmem>>
    %dma_start3A_27 = arith.constant 0 : i32
    %dma_start3A_28 = tpu.memref_slice %arg6[%dma_start3A_23, %dma_start3A_27] : memref<2x128xi32, #tpu.memory_space<vmem>> -> memref<1x128xi32, #tpu.memory_space<vmem>>
    %dma_start3A_29 = tpu.memref_squeeze %dma_start3A_28 : memref<1x128xi32, #tpu.memory_space<vmem>> -> memref<128xi32, #tpu.memory_space<vmem>>
    %dma_start3A_30 = arith.constant 0 : i32
    %dma_start3A_31 = arith.constant 0 : i32
    %dma_start3A_32 = tpu.memref_slice %arg2[%dma_start3A_30, %dma_start3A_31] : memref<8192x32xf32, #tpu.memory_space<hbm>> -> memref<8192x32xf32, #tpu.memory_space<hbm>>
    tpu.enqueue_indirect_dma source(%dma_start3A_32 : memref<8192x32xf32, #tpu.memory_space<hbm>>) target(%dma_start3A_26 : memref<128x32xf32, #tpu.memory_space<vmem>>) offsets(%dma_start3A_29 : memref<128xi32, #tpu.memory_space<vmem>>) semaphore(%arg9 : memref<!tpu.dma_semaphore, #tpu.memory_space<semaphore_mem>>)
    %dma_wait3A_33 = arith.constant 1 : i32
    %dma_wait3A_34 = arith.constant 128 : i32
    %dma_wait3A_35 = arith.constant 0 : i32
    %dma_wait3A_36 = tpu.memref_slice %arg7[%dma_wait3A_34, %dma_wait3A_35] : memref<256x32xf32, #tpu.memory_space<vmem>> -> memref<128x32xf32, #tpu.memory_space<vmem>>
    %dma_wait3A_37 = arith.constant 0 : i32
    %dma_wait3A_38 = tpu.memref_slice %arg6[%dma_wait3A_33, %dma_wait3A_37] : memref<2x128xi32, #tpu.memory_space<vmem>> -> memref<1x128xi32, #tpu.memory_space<vmem>>
    %dma_wait3A_39 = tpu.memref_squeeze %dma_wait3A_38 : memref<1x128xi32, #tpu.memory_space<vmem>> -> memref<128xi32, #tpu.memory_space<vmem>>
    %dma_wait3A_40 = arith.constant 0 : i32
    %dma_wait3A_41 = arith.constant 0 : i32
    %dma_wait3A_42 = tpu.memref_slice %arg2[%dma_wait3A_40, %dma_wait3A_41] : memref<8192x32xf32, #tpu.memory_space<hbm>> -> memref<8192x32xf32, #tpu.memory_space<hbm>>
    tpu.wait_indirect_dma semaphore(%arg9 : memref<!tpu.dma_semaphore, #tpu.memory_space<semaphore_mem>>) src(%dma_wait3A_42 : memref<8192x32xf32, #tpu.memory_space<hbm>>) dst(%dma_wait3A_36 : memref<128x32xf32, #tpu.memory_space<vmem>>)
    %scan3A = arith.constant 0 : i32
    %scan3A_43 = arith.constant 0 : i32
    %scan3A_44 = arith.constant 256 : i32
    %scan3A_45 = arith.addi %scan3A_43, %scan3A_44 : i32
    %scan3A_46 = arith.constant 1 : i32
    %scan3A_47 = scf.for %scan3A_51 = %scan3A_43 to %scan3A_45 step %scan3A_46 iter_args(%scan3A_52 = %scan3A) -> (i32)  : i32 {
      %get3A = arith.index_cast %scan3A_51 : i32 to index
      %get3A_53 = arith.constant 0 : index
      %get3A_54 = tpu.vector_load %arg7[%get3A, %get3A_53] {strides = array<i32>} : memref<256x32xf32, #tpu.memory_space<vmem>>, vector<1x16xf32>,
      %get3A_55 = vector.shape_cast %get3A_54 : vector<1x16xf32> to vector<16xf32>
      %get3A_56 = arith.index_cast %scan3A_51 : i32 to index
      %get3A_57 = arith.constant 0 : index
      %get3A_58 = tpu.vector_load %arg8[%get3A_56, %get3A_57] {strides = array<i32>} : memref<256x32xf32, #tpu.memory_space<vmem>>, vector<1x16xf32>,
      %get3A_59 = vector.shape_cast %get3A_58 : vector<1x16xf32> to vector<16xf32>
      %sub3A = arith.subf %get3A_55, %get3A_59 : vector<16xf32>
      %add3A_60 = arith.addf %get3A_59, %sub3A : vector<16xf32>
      %swap3A = arith.index_cast %scan3A_51 : i32 to index
      %swap3A_61 = arith.constant 0 : index
      %swap3A_62 = tpu.vector_load %arg7[%swap3A, %swap3A_61] {strides = array<i32>} : memref<256x32xf32, #tpu.memory_space<vmem>>, vector<1x16xf32>,
      %swap3A_63 = vector.shape_cast %swap3A_62 : vector<1x16xf32> to vector<16xf32>
      %swap3A_64 = vector.shape_cast %add3A_60 : vector<16xf32> to vector<1x16xf32>
      tpu.vector_store %arg7[%swap3A, %swap3A_61], %swap3A_64 {strides = array<i32>} : memref<256x32xf32, #tpu.memory_space<vmem>>, vector<1x16xf32>,
      %get3A_65 = arith.index_cast %scan3A_51 : i32 to index
      %get3A_66 = arith.constant 16 : index
      %get3A_67 = tpu.vector_load %arg7[%get3A_65, %get3A_66] {strides = array<i32>} : memref<256x32xf32, #tpu.memory_space<vmem>>, vector<1x16xf32>,
      %get3A_68 = vector.shape_cast %get3A_67 : vector<1x16xf32> to vector<16xf32>
      %get3A_69 = arith.index_cast %scan3A_51 : i32 to index
      %get3A_70 = arith.constant 16 : index
      %get3A_71 = tpu.vector_load %arg8[%get3A_69, %get3A_70] {strides = array<i32>} : memref<256x32xf32, #tpu.memory_space<vmem>>, vector<1x16xf32>,
      %get3A_72 = vector.shape_cast %get3A_71 : vector<1x16xf32> to vector<16xf32>
      %sub3A_73 = arith.subf %get3A_68, %get3A_72 : vector<16xf32>
      %add3A_74 = arith.addf %get3A_72, %sub3A_73 : vector<16xf32>
      %swap3A_75 = arith.index_cast %scan3A_51 : i32 to index
      %swap3A_76 = arith.constant 16 : index
      %swap3A_77 = tpu.vector_load %arg7[%swap3A_75, %swap3A_76] {strides = array<i32>} : memref<256x32xf32, #tpu.memory_space<vmem>>, vector<1x16xf32>,
      %swap3A_78 = vector.shape_cast %swap3A_77 : vector<1x16xf32> to vector<16xf32>
      %swap3A_79 = vector.shape_cast %add3A_74 : vector<16xf32> to vector<1x16xf32>
      tpu.vector_store %arg7[%swap3A_75, %swap3A_76], %swap3A_79 {strides = array<i32>} : memref<256x32xf32, #tpu.memory_space<vmem>>, vector<1x16xf32>,
      %scan3A_80 = arith.constant 0 : i32
      scf.yield %scan3A_80 : i32
    }
    %scan3A_48 = arith.constant 256 : i32
    %mul3A_49 = arith.constant 256 : i32
    %mul3A_50 = arith.muli %add3A, %mul3A_49 : i32
    "tpu.region"() ({
      %run_scoped3A = tpu.sem_alloc : memref<!tpu.dma_semaphore, #tpu.memory_space<semaphore_mem>>
      %dma_start3A_51 = arith.constant 0 : i32
      %dma_start3A_52 = tpu.memref_slice %arg5[%mul3A_50, %dma_start3A_51] : memref<8192x32xf32, #tpu.memory_space<hbm>> -> memref<256x32xf32, #tpu.memory_space<hbm>>
      %dma_start3A_53 = arith.constant 0 : i32
      %dma_start3A_54 = tpu.memref_slice %arg5[%mul3A_50, %dma_start3A_53] : memref<8192x32xf32, #tpu.memory_space<hbm>> -> memref<256x32xf32, #tpu.memory_space<hbm>>
      tpu.enqueue_dma source(%arg7 : memref<256x32xf32, #tpu.memory_space<vmem>>) target(%dma_start3A_54 : memref<256x32xf32, #tpu.memory_space<hbm>>) target_semaphore(%run_scoped3A : memref<!tpu.dma_semaphore, #tpu.memory_space<semaphore_mem>>)
      %dma_wait3A_55 = arith.constant 0 : i32
      %dma_wait3A_56 = tpu.memref_slice %arg5[%mul3A_50, %dma_wait3A_55] : memref<8192x32xf32, #tpu.memory_space<hbm>> -> memref<256x32xf32, #tpu.memory_space<hbm>>
      %dma_wait3A_57 = arith.constant 0 : i32
      %dma_wait3A_58 = tpu.memref_slice %arg5[%mul3A_50, %dma_wait3A_57] : memref<8192x32xf32, #tpu.memory_space<hbm>> -> memref<256x32xf32, #tpu.memory_space<hbm>>
      tpu.wait_dma2 semaphore(%run_scoped3A : memref<!tpu.dma_semaphore, #tpu.memory_space<semaphore_mem>>) src(%arg7 : memref<256x32xf32, #tpu.memory_space<vmem>>) dst(%dma_wait3A_58 : memref<256x32xf32, #tpu.memory_space<hbm>>)
      tpu.yield
    }) : () -> ()
    return
  }
}

module attributes {stable_mosaic.version = 14 : i64} {
  func.func @_dist_argmin_body(%arg0: i32, %arg1: memref<512x32xf32, #tpu.memory_space<vmem>>, %arg2: memref<8192x32xbf16, #tpu.memory_space<vmem>>, %arg3: memref<1x1x512xf32, #tpu.memory_space<vmem>>, %arg4: memref<1x8192xf32, #tpu.memory_space<vmem>>, %arg5: memref<1x4x128xi32, #tpu.memory_space<vmem>>, %arg6: memref<512x1xi32, #tpu.memory_space<vmem>>, %arg7: memref<1x1xf32, #tpu.memory_space<smem>>) attributes {dimension_semantics = [#tpu.dimension_semantics<arbitrary>], iteration_bounds = array<i64: 16>, scalar_prefetch = 0 : i64, scratch_operands = 0 : i64, tpu.core_type = #tpu.core_type<tc>, window_params = [{transform_indices = @transform_0, window_bounds = array<i64: 512, 32>}, {pipeline_mode = #tpu.pipeline_mode<synchronous>, transform_indices = @transform_1, window_bounds = array<i64: 8192, 32>}, {transform_indices = @transform_2, window_bounds = array<i64: 1, 1, 512>}, {pipeline_mode = #tpu.pipeline_mode<synchronous>, transform_indices = @transform_3, window_bounds = array<i64: 1, 8192>}, {transform_indices = @transform_4, window_bounds = array<i64: 1, 4, 128>}, {transform_indices = @transform_5, window_bounds = array<i64: 512, 1>}, {transform_indices = @transform_6, window_bounds = array<i64: 1, 1>}]} {
    %get3A = arith.constant 0 : index
    %get3A_0 = arith.constant 0 : index
    %get3A_1 = vector.load %arg1[%get3A, %get3A_0] : memref<512x32xf32, #tpu.memory_space<vmem>>, vector<512x32xf32>
    %get3A_2 = arith.constant 0 : index
    %get3A_3 = arith.constant 0 : index
    %get3A_4 = arith.constant 0 : index
    %get3A_5 = vector.load %arg3[%get3A_2, %get3A_3, %get3A_4] : memref<1x1x512xf32, #tpu.memory_space<vmem>>, vector<1x1x512xf32>
    %get3A_6 = vector.shape_cast %get3A_5 : vector<1x1x512xf32> to vector<1x512xf32>
    %reshape3A = vector.shape_cast %get3A_6 : vector<1x512xf32> to vector<512x1xf32>
    %get3A_7 = arith.constant 0 : index
    %get3A_8 = arith.constant 0 : index
    %get3A_9 = vector.load %arg2[%get3A_7, %get3A_8] : memref<8192x32xbf16, #tpu.memory_space<vmem>>, vector<4096x32xbf16>
    %dot_general3A = arith.constant dense<0.000000e+00> : vector<512x4096xf32>
    %dot_general3A_10 = tpu.matmul %get3A_1, %get3A_9, %dot_general3A {dimension_numbers = #tpu.dot_dimension_numbers<[1], [1], [0], [0], [0, 0, 1, 0], [], []>, transpose_lhs_hint = false} : vector<512x32xf32>, vector<4096x32xbf16>, vector<512x4096xf32> -> vector<512x4096xf32>
    %get3A_11 = arith.constant 0 : index
    %get3A_12 = arith.constant 0 : index
    %get3A_13 = vector.load %arg4[%get3A_11, %get3A_12] : memref<1x8192xf32, #tpu.memory_space<vmem>>, vector<1x4096xf32>
    %add3A = vector.broadcast %reshape3A : vector<512x1xf32> to vector<512x4096xf32>
    %add3A_14 = vector.broadcast %get3A_13 : vector<1x4096xf32> to vector<512x4096xf32>
    %add3A_15 = arith.addf %add3A, %add3A_14 : vector<512x4096xf32>
    %add3A_16 = arith.addf %add3A_15, %dot_general3A_10 : vector<512x4096xf32>
    %reduce_min3A = arith.constant dense<0x7F800000> : vector<512xf32>
    %reduce_min3A_17 = vector.multi_reduction <minimumf>, %add3A_16, %reduce_min3A [1] : vector<512x4096xf32> to vector<512xf32>
    %iota3A = tpu.iota {dimensions = array<i32: 1>} : vector<512x4096xi32>
    %broadcast_in_dim3A = vector.shape_cast %reduce_min3A_17 : vector<512xf32> to vector<512x1xf32>
    %eq3A = vector.broadcast %broadcast_in_dim3A : vector<512x1xf32> to vector<512x4096xf32>
    %eq3A_18 = arith.cmpf oeq, %add3A_16, %eq3A : vector<512x4096xf32>
    %jit3A = arith.constant 4096 : i32
    %broadcast_in_dim3A_19 = vector.broadcast %jit3A : i32 to vector<512x4096xi32>
    %select_n3A = arith.select %eq3A_18, %iota3A, %broadcast_in_dim3A_19 : vector<512x4096xi1>, vector<512x4096xi32>
    %reduce_min3A_20 = arith.constant dense<2147483647> : vector<512xi32>
    %reduce_min3A_21 = vector.multi_reduction <minsi>, %select_n3A, %reduce_min3A_20 [1] : vector<512x4096xi32> to vector<512xi32>
    %add3A_22 = arith.constant 0 : i32
    %add3A_23 = vector.broadcast %add3A_22 : i32 to vector<512xi32>
    %add3A_24 = arith.addi %reduce_min3A_21, %add3A_23 : vector<512xi32>
    %get3A_25 = arith.constant 4096 : index
    %get3A_26 = arith.constant 0 : index
    %get3A_27 = vector.load %arg2[%get3A_25, %get3A_26] : memref<8192x32xbf16, #tpu.memory_space<vmem>>, vector<4096x32xbf16>
    %dot_general3A_28 = arith.constant dense<0.000000e+00> : vector<512x4096xf32>
    %dot_general3A_29 = tpu.matmul %get3A_1, %get3A_27, %dot_general3A_28 {dimension_numbers = #tpu.dot_dimension_numbers<[1], [1], [0], [0], [0, 0, 1, 0], [], []>, transpose_lhs_hint = false} : vector<512x32xf32>, vector<4096x32xbf16>, vector<512x4096xf32> -> vector<512x4096xf32>
    %get3A_30 = arith.constant 0 : index
    %get3A_31 = arith.constant 4096 : index
    %get3A_32 = vector.load %arg4[%get3A_30, %get3A_31] : memref<1x8192xf32, #tpu.memory_space<vmem>>, vector<1x4096xf32>
    %add3A_33 = vector.broadcast %reshape3A : vector<512x1xf32> to vector<512x4096xf32>
    %add3A_34 = vector.broadcast %get3A_32 : vector<1x4096xf32> to vector<512x4096xf32>
    %add3A_35 = arith.addf %add3A_33, %add3A_34 : vector<512x4096xf32>
    %add3A_36 = arith.addf %add3A_35, %dot_general3A_29 : vector<512x4096xf32>
    %reduce_min3A_37 = arith.constant dense<0x7F800000> : vector<512xf32>
    %reduce_min3A_38 = vector.multi_reduction <minimumf>, %add3A_36, %reduce_min3A_37 [1] : vector<512x4096xf32> to vector<512xf32>
    %iota3A_39 = tpu.iota {dimensions = array<i32: 1>} : vector<512x4096xi32>
    %broadcast_in_dim3A_40 = vector.shape_cast %reduce_min3A_38 : vector<512xf32> to vector<512x1xf32>
    %eq3A_41 = vector.broadcast %broadcast_in_dim3A_40 : vector<512x1xf32> to vector<512x4096xf32>
    %eq3A_42 = arith.cmpf oeq, %add3A_36, %eq3A_41 : vector<512x4096xf32>
    %jit3A_43 = arith.constant 4096 : i32
    %broadcast_in_dim3A_44 = vector.broadcast %jit3A_43 : i32 to vector<512x4096xi32>
    %select_n3A_45 = arith.select %eq3A_42, %iota3A_39, %broadcast_in_dim3A_44 : vector<512x4096xi1>, vector<512x4096xi32>
    %reduce_min3A_46 = arith.constant dense<2147483647> : vector<512xi32>
    %reduce_min3A_47 = vector.multi_reduction <minsi>, %select_n3A_45, %reduce_min3A_46 [1] : vector<512x4096xi32> to vector<512xi32>
    %add3A_48 = arith.constant 4096 : i32
    %add3A_49 = vector.broadcast %add3A_48 : i32 to vector<512xi32>
    %add3A_50 = arith.addi %reduce_min3A_47, %add3A_49 : vector<512xi32>
    %convert_element_type3A = arith.truncf %reduce_min3A_17 : vector<512xf32> to vector<512xbf16>
    %convert_element_type3A_51 = arith.extf %convert_element_type3A : vector<512xbf16> to vector<512xf32>
    %lt3A = arith.cmpf olt, %reduce_min3A_38, %convert_element_type3A_51 : vector<512xf32>
    %select_n3A_52 = arith.select %lt3A, %add3A_50, %add3A_24 : vector<512xi1>, vector<512xi32>
    %select_n3A_53 = arith.select %lt3A, %reduce_min3A_38, %reduce_min3A_17 : vector<512xi1>, vector<512xf32>
    %reshape3A_54 = vector.shape_cast %select_n3A_52 : vector<512xi32> to vector<1x4x128xi32>
    %swap3A = arith.constant 0 : index
    %swap3A_55 = arith.constant 0 : index
    %swap3A_56 = arith.constant 0 : index
    %swap3A_57 = vector.load %arg5[%swap3A, %swap3A_55, %swap3A_56] : memref<1x4x128xi32, #tpu.memory_space<vmem>>, vector<1x4x128xi32>
    tpu.vector_store %arg5[%swap3A, %swap3A_55, %swap3A_56], %reshape3A_54 {strides = array<i32>} : memref<1x4x128xi32, #tpu.memory_space<vmem>>, vector<1x4x128xi32>,
    %reshape3A_58 = vector.shape_cast %select_n3A_52 : vector<512xi32> to vector<512x1xi32>
    %swap3A_59 = arith.constant 0 : index
    %swap3A_60 = arith.constant 0 : index
    %swap3A_61 = vector.load %arg6[%swap3A_59, %swap3A_60] : memref<512x1xi32, #tpu.memory_space<vmem>>, vector<512x1xi32>
    tpu.vector_store %arg6[%swap3A_59, %swap3A_60], %reshape3A_58 {strides = array<i32>} : memref<512x1xi32, #tpu.memory_space<vmem>>, vector<512x1xi32>,
    %reduce_sum3A = vector.shape_cast %select_n3A_53 : vector<512xf32> to vector<1x512xf32>
    %reduce_sum3A_62 = arith.constant dense<0.000000e+00> : vector<1xf32>
    %reduce_sum3A_63 = vector.multi_reduction <add>, %reduce_sum3A, %reduce_sum3A_62 [1] : vector<1x512xf32> to vector<1xf32>
    %reduce_sum3A_64 = vector.shape_cast %reduce_sum3A_63 : vector<1xf32> to vector<1x1xf32>
    %reduce_sum3A_65 = vector.extract %reduce_sum3A_64[0, 0] : f32 from vector<1x1xf32>
    %eq3A_66 = arith.constant 0 : i32
    %eq3A_67 = arith.cmpi eq, %arg0, %eq3A_66 : i32
    %get3A_68 = arith.constant 0 : index
    %get3A_69 = arith.constant 0 : index
    %get3A_70 = memref.load %arg7[%get3A_68, %get3A_69] : memref<1x1xf32, #tpu.memory_space<smem>>
    %jit3A_71 = arith.constant 0.000000e+00 : f32
    %select_n3A_72 = arith.select %eq3A_67, %jit3A_71, %get3A_70 : f32
    %add3A_73 = arith.addf %select_n3A_72, %reduce_sum3A_65 : f32
    %eq3A_74 = arith.constant 15 : i32
    %eq3A_75 = arith.cmpi eq, %arg0, %eq3A_74 : i32
    %mul3A = arith.constant 4.76837158E-6 : f32
    %mul3A_76 = arith.mulf %add3A_73, %mul3A : f32
    %select_n3A_77 = arith.select %eq3A_75, %mul3A_76, %add3A_73 : f32
    %swap3A_78 = arith.constant 0 : index
    %swap3A_79 = arith.constant 0 : index
    %swap3A_80 = memref.load %arg7[%swap3A_78, %swap3A_79] : memref<1x1xf32, #tpu.memory_space<smem>>
    memref.store %select_n3A_77, %arg7[%swap3A_78, %swap3A_79] : memref<1x1xf32, #tpu.memory_space<smem>>
    return
  }
  func.func @transform_0(%arg0: i32) -> (i32, i32) {
    %c0_i32 = arith.constant 0 : i32
    %c0_i32_0 = arith.constant 0 : i32
    return %arg0, %c0_i32 : i32, i32
  }
  func.func @transform_1(%arg0: i32) -> (i32, i32) {
    %c0_i32 = arith.constant 0 : i32
    %c0_i32_0 = arith.constant 0 : i32
    %c0_i32_1 = arith.constant 0 : i32
    return %c0_i32, %c0_i32_0 : i32, i32
  }
  func.func @transform_2(%arg0: i32) -> (i32, i32, i32) {
    %c0_i32 = arith.constant 0 : i32
    %c0_i32_0 = arith.constant 0 : i32
    %c0_i32_1 = arith.constant 0 : i32
    return %arg0, %c0_i32, %c0_i32_0 : i32, i32, i32
  }
  func.func @transform_3(%arg0: i32) -> (i32, i32) {
    %c0_i32 = arith.constant 0 : i32
    %c0_i32_0 = arith.constant 0 : i32
    %c0_i32_1 = arith.constant 0 : i32
    return %c0_i32, %c0_i32_0 : i32, i32
  }
  func.func @transform_4(%arg0: i32) -> (i32, i32, i32) {
    %c0_i32 = arith.constant 0 : i32
    %c0_i32_0 = arith.constant 0 : i32
    %c0_i32_1 = arith.constant 0 : i32
    return %arg0, %c0_i32, %c0_i32_0 : i32, i32, i32
  }
  func.func @transform_5(%arg0: i32) -> (i32, i32) {
    %c0_i32 = arith.constant 0 : i32
    %c0_i32_0 = arith.constant 0 : i32
    return %arg0, %c0_i32 : i32, i32
  }
  func.func @transform_6(%arg0: i32) -> (i32, i32) {
    %c0_i32 = arith.constant 0 : i32
    %c0_i32_0 = arith.constant 0 : i32
    %c0_i32_1 = arith.constant 0 : i32
    return %c0_i32, %c0_i32_0 : i32, i32
  }
}

</mosaic_0001>

<sc_bundles>
// kernel: kernel.4.cloned.1.call-start
scs
__scs_entry_jumppad:
0x0: {  	(pc) =	sbr.rel $0x88, $3  }
0x1: {  	(tag) =	ssettag $0x0;
	lr =	simm.s32 $0x1  }
0x2: {  	[smem:$0x3F9F] =	sst lr;
	_ =	strace $0xD0000000  }
0x3: {  	_ = 	snop  }
0x4: {  	_ = 	snop  }
0x5: {  	_ = 	snop  }
0x6: {  	_ = 	snop  }
0x7: {  	_ = 	snop  }
__scs_overlays_trampoline_lowered:
0x8: {  	[smem:$0x3FAE] =	sst s0  }
0x9: {  	[smem:$0x3FAF] =	sst s1  }
0xa: {  	[smem:$0x3FB0] =	sst s2  }
0xb: {  	[smem:$0x3FB1] =	sst s3  }
0xc: {  	[smem:$0x3FB2] =	sst s4  }
0xd: {  	[smem:$0x3FB3] =	sst s5  }
0xe: {  	[smem:$0x3FB4] =	sst s6  }
0xf: {  	[smem:$0x3FB5] =	sst s7  }
0x10: {  	[smem:$0x3FB6] =	sst s8  }
0x11: {  	[smem:$0x3FB7] =	sst s9;
	s0 =	simm.s32 @!p0 $0x0  }
0x12: {  	s1 =	sld [smem:$0x3F9D];
	s0 =	simm.s32 @p0 $0x1  }
0x13: {  	[smem:$0x3FB8] =	sst s0;
	s0 =	simm.s32 @!p1 $0x0  }
0x14: {  	s2 =	sld [smem:$0x3F9C];
	s0 =	simm.s32 @p1 $0x1  }
0x15: {  	[smem:$0x3FB9] =	sst s0;
	s0 =	simm.s32 @!p2 $0x0  }
0x16: {  	s3 =	sld [smem:$0x3FDB];
	s0 =	simm.s32 @p2 $0x1  }
0x17: {  	s4 =	simm.s32 $0x1BF5;
	[smem:$0x3FBB] =	sst s0  }
0x18: {  	s0 =	sld [smem:$0x3F9E];
	_ =	swait.ge [sflag:s4], $0x0  }
0x19: {  	s7 =	sld [smem:$0x3F9F]  }
0x1a: {  	s8 =	sadd.s32 $0xFFFFE003, lr  }
0x1b: {  	s9 =	sadd.s32 $0xFFFFFEF7, lr;
	s5 =	simm.s32 $0xFFFFFFFF;
	p2 =	slt.u32 s8, $0xFFFFF086  }
0x1c: {  	p1 =	slt.u32 s9, $0xF7A;
	s5 =	simm.s32 @!p2 $0x0  }
0x1d: {  	s5 =	simm.s32 @p1 $0x1;
	p0 =	seq.s32 s7, s2  }
0x1e: {  	s7 =	smul.u32 @!p0 $0xF7A, s2;
	p2 =	seq.s32 @!p0 s5, $0x0  }
0x1f: {  	s9 =	smul.u32 $0xF7A, s1;
	s8 =	simm.s32 @!p0 $0x1BF5;
	p2 =	por !p2, p0  }
0x20: {  	[sflag:s8] =	ssyncset.s32 @!p0 $0xFFFFF086;
	s6 =	sadd.s32 @!p0 s3, s7;
	s7 =	simm.s32 @!p0 $0x108  }
0x21: {  	s3 =	sadd.s32 s3, s9;
	s6 =	sadd.s32 @!p0 $0x88, s6;
	s7 =	simm.s32 @p2 $0x1082  }
0x22: {  	[simem:s7], [sflag:s8] =	dma.local @!p0 [hbm:s6], $0xF7A  }
0x23: {  	s9 =	sor.u32 $0xD0000000, s2;
	s6 =	simm.s32 $0x108;
	_ =	swait.ge @!p0 [sflag:s8], $0x0  }
0x24: {  	s3 =	sadd.s32 $0x88, s3;
	s6 =	simm.s32 @!p1 $0x1082;
	[sflag:s4] =	ssyncset.s32 $0xFFFFF086  }
0x25: {  	[simem:s6], [sflag:s4] =	dma.local [hbm:s3], $0xF7A  }
0x26: {  	[smem:$0x3F9F] =	sst s1;
	(tag) =	ssettag s2;
	_ =	strace s9  }
0x27: {  	s1 =	sld [smem:$0x3FAF]  }
0x28: {  	s2 =	sld [smem:$0x3FB0]  }
0x29: {  	s4 =	sld [smem:$0x3FB2]  }
0x2a: {  	p0 =	seq.s32 s5, $0x0;
	s5 =	sld [smem:$0x3FB3]  }
0x2b: {  	s6 =	sld [smem:$0x3FB4]  }
0x2c: {  	s7 =	sld [smem:$0x3FB5]  }
0x2d: {  	s3 =	simm.s32 $0x108;
	s8 =	sld [smem:$0x3FB6]  }
0x2e: {  	s3 =	simm.s32 @!p0 $0x1082;
	s9 =	sld [smem:$0x3FB7]  }
0x2f: {  	lr =	sadd.s32 s0, s3;
	s0 =	sld [smem:$0x3FAE]  }
0x30: {  	s3 =	sld [smem:$0x3FB1]  }
0x31: {  	[smem:$0x3FBA] =	sst s10  }
0x32: {  	s10 =	sld [smem:$0x3FB8];
	_ =	sdelay $0x3  }
0x33: {  	p0 =	seq.s32 s10, $0x1;
	s10 =	sld [smem:$0x3FBA];
	_ =	sdelay $0x3  }
0x34: {  	[smem:$0x3FBA] =	sst s10  }
0x35: {  	s10 =	sld [smem:$0x3FB9];
	_ =	sdelay $0x3  }
0x36: {  	p1 =	seq.s32 s10, $0x1;
	s10 =	sld [smem:$0x3FBA];
	_ =	sdelay $0x3  }
0x37: {  	[smem:$0x3FBA] =	sst s10  }
0x38: {  	s10 =	sld [smem:$0x3FBB]  }
0x39: {  	_ = 	snop;
	(pc) =	sbr.ind lr, $3  }
0x3a: {  	_ = 	snop  }
0x3b: {  	_ = 	snop  }
0x3c: {  	p2 =	seq.s32 s10, $0x1;
	s10 =	sld [smem:$0x3FBA]  }
0x3d: {  	_ =	shalt  }
0x3e: {  	_ =	shalt  }
0x3f: {  	_ =	shalt  }
0x40: {  	_ =	shalt  }
0x41: {  	_ =	shalt  }
0x42: {  	_ =	shalt  }
0x43: {  	_ =	shalt  }
0x44: {  	_ =	shalt  }
0x45: {  	_ =	shalt  }
0x46: {  	_ =	shalt  }
0x47: {  	_ =	shalt  }
0x48: {  	_ =	shalt  }
0x49: {  	_ =	shalt  }
0x4a: {  	_ =	shalt  }
0x4b: {  	_ =	shalt  }
0x4c: {  	_ =	shalt  }
0x4d: {  	_ =	shalt  }
0x4e: {  	_ =	shalt  }
0x4f: {  	_ =	shalt  }
0x50: {  	_ =	shalt  }
0x51: {  	_ =	shalt  }
0x52: {  	_ =	shalt  }
0x53: {  	_ =	shalt  }
0x54: {  	_ =	shalt  }
0x55: {  	_ =	shalt  }
0x56: {  	_ =	shalt  }
0x57: {  	_ =	shalt  }
0x58: {  	_ =	shalt  }
0x59: {  	_ =	shalt  }
0x5a: {  	_ =	shalt  }
0x5b: {  	_ =	shalt  }
0x5c: {  	_ =	shalt  }
0x5d: {  	_ =	shalt  }
0x5e: {  	_ =	shalt  }
0x5f: {  	_ =	shalt  }
0x60: {  	_ =	shalt  }
0x61: {  	_ =	shalt  }
0x62: {  	_ =	shalt  }
0x63: {  	_ =	shalt  }
0x64: {  	_ =	shalt  }
0x65: {  	_ =	shalt  }
0x66: {  	_ =	shalt  }
0x67: {  	_ =	shalt  }
0x68: {  	_ =	shalt  }
0x69: {  	_ =	shalt  }
0x6a: {  	_ =	shalt  }
0x6b: {  	_ =	shalt  }
0x6c: {  	_ =	shalt  }
0x6d: {  	_ =	shalt  }
0x6e: {  	_ =	shalt  }
0x6f: {  	_ =	shalt  }
0x70: {  	_ =	shalt  }
0x71: {  	_ =	shalt  }
0x72: {  	_ =	shalt  }
0x73: {  	_ =	shalt  }
0x74: {  	_ =	shalt  }
0x75: {  	_ =	shalt  }
0x76: {  	_ =	shalt  }
0x77: {  	_ =	shalt  }
0x78: {  	_ =	shalt  }
0x79: {  	_ =	shalt  }
0x7a: {  	_ =	shalt  }
0x7b: {  	_ =	shalt  }
0x7c: {  	_ =	shalt  }
0x7d: {  	_ =	shalt  }
0x7e: {  	_ =	shalt  }
0x7f: {  	_ =	shalt  }
0x80: {  	_ =	shalt  }
0x81: {  	_ =	shalt  }
0x82: {  	_ =	shalt  }
0x83: {  	_ =	shalt  }
0x84: {  	_ =	shalt  }
0x85: {  	_ =	shalt  }
0x86: {  	_ =	shalt  }
0x87: {  	_ =	shalt  }
.Lfunc_end0:
.L_simem_size_0:
called_computation_lowered:
.L_overlay_start_0:
0x88: {  	s2 =	sld [smem:$0x3FD9]  }
0x89: {  	s3 =	sld [smem:$0x3FFE];
	_ =	sdelay $0x1  }
0x8a: {  	s1 =	srdreg.scid  }
0x8b: {  	s0 =	sand.u32 $0x1, s1  }
0x8c: {  	s14 =	sshll.u32 s0, $0xA;
	s2 =	sadd.s32 s3, s2  }
0x8d: {  	s2 =	sadd.s32 s2, s14  }
0x8e: {  	[smem:$0x3FC6] =	sst s2  }
0x8f: {  	_ = 	snop  }
0x90: {  	s2 =	sld [smem:$0x3FD0];
	_ =	sdelay $0x2  }
0x91: {  	s15 =	simm.s32 $0xA;
	s4 =	simm.s32 $0x10  }
0x92: {  	[smem:s4], [sflag:s15] =	dma.local [hbm:s2], $0x1  }
0x93: {  	_ =	swait.eq [sflag:s15], $0x1  }
0x94: {  	[sflag:s15] =	ssyncset.done $0x0  }
0x95: {  	[sflag:s15] =	ssyncadd.s32 $0xFFFFFFFF  }
0x96: {  	s16 =	sld [smem:$0x10];
	(tm) =	ssettm $0x1  }
0x97: {  	s17 =	sld [smem:$0x3FFB];
	_ =	sdelay $0x3  }
0x98: {  	_ =	strace s17  }
0x99: {  	s3 =	sld [smem:$0x3FFC];
	_ =	sdelay $0x3  }
0x9a: {  	_ =	strace s3  }
0x9b: {  	s3 =	sld [smem:$0x3FFD];
	_ =	sdelay $0x3  }
0x9c: {  	_ =	strace s3  }
0x9d: {  	_ =	strace $0x8FFFFFFF  }
0x9e: {  	s18 =	sld [smem:$0x3FDB];
	_ =	sdelay $0x1  }
0x9f: {  	s19 =	simm.s32 $_scs_section_size  }
0xa0: {  	s5 =	simm.s32 $_size__tile_overlayer_lowered;
	s6 =	simm.s32 $_tile_overlayer_lowered  }
0xa1: {  	s22 =	simm.s32 $0x1BFF;
	s21 =	sshll.u32 s6, $0x1;
	s3 =	sadd.s32 s19, s18  }
0xa2: {  	s7 =	simm.s32 $0x0;
	s20 =	sshll.u32 s5, $0x1;
	s5 =	sadd.s32 s21, s3  }
0xa3: {  	[timem:s7], [sflag:s22] =	dma.local [hbm:s5], s20  }
0xa4: {  	_ =	swait.ge [sflag:s22], s20  }
0xa5: {  	s4 =	ssub.s32 $0x0, s20;
	[sflag:s22] =	ssyncset.done $0x0  }
0xa6: {  	[sflag:s22] =	ssyncadd.s32 s4;
	_ =	sdelay $0x1  }
0xa7: {  	s23 =	simm.s32 $0x1B8B  }
0xa8: {  	_ =	swait.ge [sflag:s23], $0x1  }
0xa9: {  	[sflag:s23] =	ssyncset.done $0x0  }
0xaa: {  	s25 =	simm.s32 $0x1B8E;
	s24 =	sld [smem:$0x3FFE];
	[sflag:s23] =	ssyncadd.s32 $0xFFFFFFFF  }
0xab: {  	s26 =	simm.s32 $execute0_lowered;
	[smem:$0x3FD2] =	sst s25  }
0xac: {  	s5 =	sshll.u32 s26, $0x1;
	_ =	strace $0x80000046;
	[dreg:$0x1] =	wrdreg $0xFFFFFFFF  }
0xad: {  	s28 =	simm.s32 $_size_execute0_lowered;
	s3 =	sadd.s32 s3, s5;
	[dreg:$0x0] =	wrdreg $0x0  }
0xae: {  	s5 =	sshll.u32 s28, $0x1;
	[dreg:$0x2] =	wrdreg s3  }
0xaf: {  	[dreg:$0x3] =	wrdreg s5  }
0xb0: {  	[dreg:$0x4] =	wrdreg $0xC0  }
0xb1: {  	_ =	task [dreg:s7], $0x5FFFF  }
0xb2: {  	[dreg:$0x1] =	wrdreg $0xFFFFFFFF  }
0xb3: {  	[dreg:$0x0] =	wrdreg $0x60  }
0xb4: {  	[dreg:$0x2] =	wrdreg s16  }
0xb5: {  	[dreg:$0x3] =	wrdreg s24  }
0xb6: {  	[dreg:$0x4] =	wrdreg $0x9  }
0xb7: {  	_ =	task.clear_ibuf [dreg:s7], $0x5FFFF;
	_ =	strace $0x90000046  }
0xb8: {  	s29 =	simm.s32 $0x9;
	_ =	strace $0x80000048  }
0xb9: {  	_ =	swait.ge [sflag:s29], $0x1  }
0xba: {  	[sflag:s29] =	ssyncadd.s32 $0xFFFFFFFF  }
0xbb: {  	_ =	strace $0x90000048  }
0xbc: {  	_ =	sfence  }
0xbd: {  	s30 =	sld [smem:$0x0];
	_ =	sdelay $0x2  }
0xbe: {  	s31 =	sshll.u32 s1, $0xD;
	s1 =	sshrl.u32 s1, $0x2  }
0xbf: {  	s3 =	sand.u32 $0x4000, s31;
	s1 =	sadd.s32 s1, s30  }
0xc0: {  	s0 =	sor.u32 s3, s0;
	s1 =	sshll.u32 s1, $0x11  }
0xc1: {  	s0 =	sor.u32 s1, s0  }
0xc2: {  	s0 =	sadd.s32 $0x8F2B, s0  }
0xc3: {  	[sflag:s0] =	ssyncadd.remote.s32 $0x1  }
0xc4: {  	_ =	sfence.sel $0xFFFF  }
0xc5: {  	[dreg:$0x0] =	wrdreg $0xFFFFFFFF;
	(pc) =	sbr.abs _section_cstart, $3  }
0xc6: {  	[dreg:$0x1] =	wrdreg $0xFFFFFFFF  }
0xc7: {  	_ =	task.clear_ibuf [dreg:s7], $0x2FFFF;
	_ =	strace $0x9FFFFFFF  }
0xc8: {  	(tm) =	ssettm $0x7FFFFFFF  }
0xc9: {  	_ =	shalt  }
tec
execute0_lowered:
.L_overlay_start_1:
0x0: {  	(tag) =	ssettag $0x1  }
0x1: {  	s1 =	rddreg [dreg:$0x0]  }
0x2: {  	s4 =	rddreg [dreg:$0x1]  }
0x3: {  	s0 =	rddreg [dreg:$0x2];
	s3 =	simm.s32 $0x0;
	s5 =	srdreg.scid  }
0x4: {  	s2 =	stileid.u32;
	s9 =	simm.s32 $0x2100;
	s10 =	simm.s32 $0x80  }
0x5: {  	s11 =	simm.s32 $0x100;
	s12 =	simm.s32 $0x1;
	s13 =	simm.s32 $0x1100  }
0x6: {  	[smem:$0x7FF] =	sst s3;
	s5 =	sand.u32 $0x1, s5;
	s6 =	sshll.u32 s2, $0x1  }
0x7: {  	s14 =	simm.s32 $0x0;
	_ =	strace $0x80000047;
	s6 =	sor.u32 s5, s6  }
0x8: {  	s5 =	ssub.s32 $0x2, s5;
	s7 =	sshll.u32 s6, $0x5;
	s6 =	sshll.u32 s6, $0xA  }
0x9: {  	s31 =	sshrl.u32 s5, $0x1;
	s7 =	sadd.s32 s7, s4;
	s6 =	sadd.s32 s6, s4  }
0xa: {  	s8 =	ssub.s32 s5, s31;
	s4 =	sadd.s32 $0x8400, s7;
	s5 =	sadd.s32 $0x400, s6  }
0xb: {  	s6 =	sadd.s32 $0x8800, s6;
	s7 =	smax.u32 s8, $0x1;
	s8 =	simm.s32 $0x2  }
.LBB2_1:
0xc: {  	[tilespmem:s3], [sflag:$0x2] =	stream.linear.gather [hbm4b:s4+s3], $0x100, $0x38;
	[tilespmem:$0x4100] =	vst v63  }
0xd: {  	_ =	swait.ge [sflag:s8], $0x100  }
0xe: {  	[sflag:s8] =	ssyncset.done $0x0  }
0xf: {  	[sflag:s8] =	ssyncadd.s32 $0xFFFFFF00  }
0x10: {  	[tilespmem:s9], [sflag:$0x2] =	stream.linear.gather [hbm4b:s5+s3], $0x2000, $0x38;
	[tilespmem:$0x4100] =	vst v63  }
0x11: {  	_ =	swait.ge [sflag:s8], $0x2000  }
0x12: {  	[sflag:s8] =	ssyncset.done $0x0  }
0x13: {  	[sflag:s8] =	ssyncadd.s32 $0xFFFFE000  }
0x14: {  	[tilespmem:s11], [sflag:$0x1] =	stream.indirect.gather [hbm4b:s1+s10], $0x20, s3, s10, $0xb8;
	[tilespmem:$0x4100] =	vst v63  }
0x15: {  	_ =	swait.ge [sflag:s12], $0x1000  }
0x16: {  	[sflag:s12] =	ssyncset.done $0x0  }
0x17: {  	[sflag:s12] =	ssyncadd.s32 $0xFFFFF000  }
0x18: {  	[tilespmem:s13], [sflag:$0x1] =	stream.indirect.gather [hbm4b:s1+s10], $0x20, s10, s10, $0xb8;
	[tilespmem:$0x4100] =	vst v63  }
0x19: {  	_ =	swait.ge [sflag:s12], $0x1000  }
0x1a: {  	[sflag:s12] =	ssyncset.done $0x0  }
0x1b: {  	s15 =	simm.s32 $0x0;
	[sflag:s12] =	ssyncadd.s32 $0xFFFFF000  }
0x1c: {  	v0 =	vld [tilespmem:s15+$0x2100]  }
0x1d: {  	v1 =	vld [tilespmem:s15+$0x2110]  }
0x1e: {  	s16 =	simm.s32 $0x80;
	v2 =	vld [tilespmem:s15+$0x100]  }
.LBB2_2:
0x1f: {  	p0 =	sne.s32 s16, $0x7F80;
	v3 =	vld [tilespmem:s15+$0x110];
	_ =	sdelay $0x3  }
0x20: {  	v2 =	vsub.f32 v2, v0  }
.Ltmp0:
0x21: {  	v3 =	vsub.f32 v3, v1;
	(pc) =	sbr.rel @p0 .LBB2_2-.Ltmp0, $4  }
0x22: {  	s17 =	sshra.s32 s16, $0x2;
	v2 =	vadd.f32 v2, v0  }
0x23: {  	v0 =	vld [tilespmem:s17+$0x2100];
	v3 =	vadd.f32 v3, v1  }
0x24: {  	v1 =	vld [tilespmem:s17+$0x2110];
	[tilespmem:s15+$0x100] =	vst v2  }
0x25: {  	s16 =	sadd.s32 $0x80, s16;
	v2 =	vld [tilespmem:s17+$0x100];
	[tilespmem:s15+$0x110] =	vst v3;
	s15 =	smov.u32 s17  }
0x26: {  	v3 =	vld [tilespmem:s15+$0x110];
	_ =	sdelay $0x3  }
0x27: {  	v2 =	vsub.f32 v2, v0  }
0x28: {  	v3 =	vsub.f32 v3, v1  }
0x29: {  	v0 =	vadd.f32 v2, v0  }
0x2a: {  	s14 =	sadd.s32 $0x1, s14;
	v1 =	vadd.f32 v3, v1  }
0x2b: {  	p0 =	sne.s32 s14, s7;
	[tilespmem:s15+$0x100] =	vst v0  }
.Ltmp1:
0x2c: {  	[tilespmem:s15+$0x110] =	vst v1;
	(pc) =	sbr.rel @p0 .LBB2_1-.Ltmp1, $4  }
0x2d: {  	[hbm4b:s6+s3] =	stream.linear.scatter [tilespmem:s11], [sflag:$0x2], $0x2000, $0x38;
	[tilespmem:$0x4100] =	vst v63  }
0x2e: {  	_ =	swait.ge [sflag:s8], $0x2000  }
0x2f: {  	[sflag:s8] =	ssyncset.done $0x0  }
0x30: {  	[sflag:s8] =	ssyncadd.s32 $0xFFFFE000  }
0x31: {  	_ =	sfence.sel $0x180000  }
0x32: {  	[bflag:$0x0] =	sbarrier.arrive $0xFFFF  }
0x33: {  	p0 =	sne.s32 s2, $0x0;
	_ =	strace $0x90000047  }
0x34: {  	s0 =	sadd.s32 @!p0 $0x100000, s0;
	[bflag:$0x2] =	sbarrier.arrive $0xFFFF  }
0x35: {  	[sflag:s0] =	ssyncadd.tile.s32 @!p0 $0x1;
	_ =	shalt  }
.Lfunc_end2:
_tile_overlayer_lowered:
.L_overlay_start_2:
0x36: {  	(tag) =	ssettag $0x2  }
0x37: {  	s0 =	rddreg [dreg:$0x0];
	s2 =	stileid.u32  }
0x38: {  	s1 =	rddreg [dreg:$0x1];
	p0 =	sne.s32 s2, $0x0  }
0x39: {  	s3 =	rddreg [dreg:$0x2];
	[bflag:$0x3] =	sbarrier.arrive $0xFFFF;
	s2 =	simm.s32 @!p0 $0x1C02  }
0x3a: {  	[timem:s3], [sflag:s2] =	dma.local @!p0 [hbm:s0], s1  }
0x3b: {  	s0 =	simm.s32 @!p0 $0x2  }
0x3c: {  	_ =	swait.ge @!p0 [sflag:s0], s1  }
0x3d: {  	s1 =	ssub.s32 @!p0 $0x0, s1;
	[sflag:s0] =	ssyncset.done @!p0 $0x0  }
0x3e: {  	[sflag:s0] =	ssyncadd.s32 @!p0 s1  }
0x3f: {  	[bflag:$0x3] =	sbarrier.arrive $0xFFFF  }
0x40: {  	_ =	shalt  }

</sc_bundles>
